<compile_context>
chip_gen: v7x
topology: tpu7x:2x2x1
jax: 0.10.2.dev20260603
libtpu: 0.0.44.dev20260713+nightly
codegen_flags: <defaults>
</compile_context>

<pallas_src>
import functools

import jax
import jax.numpy as jnp
from jax import lax
from jax.experimental import pallas as pl
from jax.experimental.pallas import tpu as pltpu
from jax.experimental.pallas import tpu_sc as plsc

B, L = 1024, 50
V, E, H, C = 100000, 100, 100, 3
EP = 128
HP = 128
G = 3 * HP
N_TOK = B * L

_PAD_BLK = 4000
_PAD_GRID = V // _PAD_BLK


def _tc_pad_body(t_ref, o_ref):
    o_ref[:, :E] = t_ref[...]
    o_ref[:, E:] = jnp.zeros((_PAD_BLK, EP - E), jnp.float32)


_tc_pad = pl.pallas_call(
    _tc_pad_body,
    grid=(_PAD_GRID,),
    in_specs=[pl.BlockSpec((_PAD_BLK, E), lambda i: (i, 0))],
    out_specs=pl.BlockSpec((_PAD_BLK, EP), lambda i: (i, 0)),
    out_shape=jax.ShapeDtypeStruct((V, EP), jnp.float32),
)

_NC, _NS = 2, 16
_NW = _NC * _NS
_PER_W = N_TOK // _NW
_CHUNK = 400
_NCHUNK = _PER_W // _CHUNK


def _sc_gather_body(idx_hbm, table_hbm, out_hbm, idx_v, rows_v, sem):
    wid = lax.axis_index("s") * _NC + lax.axis_index("c")
    base = wid * _PER_W
    pltpu.sync_copy(idx_hbm.at[pl.ds(base, _PER_W)], idx_v)
    for c in range(_NCHUNK):
        cp = pltpu.async_copy(
            table_hbm.at[idx_v.at[pl.ds(c * _CHUNK, _CHUNK)]], rows_v, sem)
        cp.wait()
        pltpu.sync_copy(rows_v, out_hbm.at[pl.ds(base + c * _CHUNK, _CHUNK)])


@functools.cache
def _sc_gather():
    return pl.kernel(
        _sc_gather_body,
        out_type=jax.ShapeDtypeStruct((N_TOK, EP), jnp.float32),
        mesh=plsc.VectorSubcoreMesh(core_axis_name="c", subcore_axis_name="s"),
        scratch_types=[
            pltpu.VMEM((_PER_W,), jnp.int32),
            pltpu.VMEM((_CHUNK, EP), jnp.float32),
            pltpu.SemaphoreType.DMA,
        ],
    )


K2 = 2 * HP
S4 = 4 * HP


def _tc_gru_body(emb_ref, wc_ref, bc_ref, wlin_ref, blin_ref, out_ref, xh_ref):
    t = pl.program_id(0)

    @pl.when(t == 0)
    def _():
        xh_ref[:, HP:K2] = jnp.zeros((B, HP), jnp.float32)

    xh_ref[:, 0:HP] = emb_ref[0]
    s = jnp.dot(xh_ref[...], wc_ref[...],
                preferred_element_type=jnp.float32) + bc_ref[...]
    rz = jax.nn.sigmoid(s[:, 0:K2])
    r = rz[:, 0:HP]
    z = rz[:, HP:K2]
    n = jnp.tanh(s[:, K2:3 * HP] + r * s[:, 3 * HP:S4])
    h = xh_ref[:, HP:K2]
    h_new = n + z * (h - n)
    xh_ref[:, HP:K2] = h_new

    @pl.when(t == L - 1)
    def _():
        out_ref[...] = jnp.dot(h_new, wlin_ref[...],
                               preferred_element_type=jnp.float32) + blin_ref[...]


_tc_gru = pl.pallas_call(
    _tc_gru_body,
    grid=(L,),
    in_specs=[
        pl.BlockSpec((1, B, EP), lambda t: (t, 0, 0)),
        pl.BlockSpec((K2, S4), lambda t: (0, 0)),
        pl.BlockSpec((1, S4), lambda t: (0, 0)),
        pl.BlockSpec((HP, C), lambda t: (0, 0)),
        pl.BlockSpec((1, C), lambda t: (0, 0)),
    ],
    out_specs=pl.BlockSpec((B, C), lambda t: (0, 0)),
    out_shape=jax.ShapeDtypeStruct((B, C), jnp.float32),
    scratch_shapes=[pltpu.VMEM((B, K2), jnp.float32)],
)


def _pack_weights(W_ih, W_hh, b_ih, b_hh, W_lin, b_lin):
    f32 = jnp.float32
    wi = W_ih.astype(f32).reshape(3, H, E).transpose(0, 2, 1)
    wi = jnp.pad(wi, ((0, 0), (0, EP - E), (0, HP - H)))
    wh = W_hh.astype(f32).reshape(3, H, H).transpose(0, 2, 1)
    wh = jnp.pad(wh, ((0, 0), (0, HP - H), (0, HP - H)))
    zero = jnp.zeros((HP, HP), f32)
    top = jnp.concatenate([wi[0], wi[1], wi[2], zero], axis=1)
    bot = jnp.concatenate([wh[0], wh[1], zero, wh[2]], axis=1)
    wc = jnp.concatenate([top, bot], axis=0)
    bi = jnp.pad(b_ih.astype(f32).reshape(3, H), ((0, 0), (0, HP - H)))
    bh = jnp.pad(b_hh.astype(f32).reshape(3, H), ((0, 0), (0, HP - H)))
    bc = jnp.concatenate(
        [bi[0] + bh[0], bi[1] + bh[1], bi[2], bh[2]]).reshape(1, S4)
    wlin = jnp.pad(W_lin.astype(f32).T, ((0, HP - H), (0, 0)))
    blin = b_lin.astype(f32).reshape(1, C)
    return wc, bc, wlin, blin


def kernel(table, sentences, W_ih, W_hh, b_ih, b_hh, W_lin, b_lin):
    table_p = _tc_pad(table.astype(jnp.float32))
    idx = sentences.astype(jnp.int32).T.reshape(-1)
    emb = _sc_gather()(idx, table_p).reshape(L, B, EP)
    wc, bc, wlin, blin = _pack_weights(W_ih, W_hh, b_ih, b_hh, W_lin, b_lin)
    return _tc_gru(emb, wc, bc, wlin, blin)

# --- scband reference (transcript-rebuilt; emitter-appended) ---
"""Pipeline reference for scband-classifier-76768245448983 (READ-ONLY COPY).

The authoritative reference and input builder live on the scoring server;
editing this copy changes nothing except your own understanding.
"""

import jax, jax.numpy as jnp
import numpy as np

B, L = 1024, 50
V, E, H, C = 100000, 100, 100, 3


def setup_inputs(seed: int = 0) -> dict:
    key = jax.random.key(seed)
    ks = jax.random.split(key, 8)
    table = jax.random.normal(ks[0], (V, E), dtype=jnp.float32)
    sentences = jax.random.randint(ks[1], (B, L), 0, V, dtype=jnp.int64)
    s = 1.0 / np.sqrt(H)
    W_ih = jax.random.uniform(ks[2], (3 * H, E), minval=-s, maxval=s, dtype=jnp.float32)
    W_hh = jax.random.uniform(ks[3], (3 * H, H), minval=-s, maxval=s, dtype=jnp.float32)
    b_ih = jax.random.uniform(ks[4], (3 * H,), minval=-s, maxval=s, dtype=jnp.float32)
    b_hh = jax.random.uniform(ks[5], (3 * H,), minval=-s, maxval=s, dtype=jnp.float32)
    sl = 1.0 / np.sqrt(H)
    W_lin = jax.random.uniform(ks[6], (C, H), minval=-sl, maxval=sl, dtype=jnp.float32)
    b_lin = jax.random.uniform(ks[7], (C,), minval=-sl, maxval=sl, dtype=jnp.float32)
    return {"table": table, "sentences": sentences, "W_ih": W_ih, "W_hh": W_hh,
            "b_ih": b_ih, "b_hh": b_hh, "W_lin": W_lin, "b_lin": b_lin}


def reference(table, sentences, W_ih, W_hh, b_ih, b_hh, W_lin, b_lin):
    # Embedding lookup (frozen table)
    emb = jnp.take(table, sentences, axis=0)  # [B, L, E]

    def step(h, x_t):
        gi = x_t @ W_ih.T + b_ih
        gh = h @ W_hh.T + b_hh
        i_r, i_z, i_n = jnp.split(gi, 3, axis=-1)
        h_r, h_z, h_n = jnp.split(gh, 3, axis=-1)
        r = jax.nn.sigmoid(i_r + h_r)
        z = jax.nn.sigmoid(i_z + h_z)
        n = jnp.tanh(i_n + r * h_n)
        h_new = (1.0 - z) * n + z * h
        return h_new, None

    h0 = jnp.zeros((emb.shape[0], H), dtype=emb.dtype)
    xs = jnp.swapaxes(emb, 0, 1)  # [L, B, E]
    h_last, _ = jax.lax.scan(step, h0, xs)
    # take output at last timestep, then linear
    out = h_last @ W_lin.T + b_lin  # [B, C]
    return out

if __name__ == "__main__":
    import jax
    _d = setup_inputs()
    print(jax.jit(kernel)(*tuple(_d.values())))

</pallas_src>

<mosaic_0001>
#map = affine_map<(d0, d1) -> (0)>
#map1 = affine_map<(d0, d1) -> (0, 0)>
module attributes {stable_mosaic.version = 14 : i64} {
  func.func @_sc_gather_body(%arg0: i32, %arg1: i32, %arg2: memref<51200xi32, #tpu.memory_space<hbm>>, %arg3: memref<100000x128xf32, #tpu.memory_space<hbm>>, %arg4: memref<51200x128xf32, #tpu.memory_space<hbm>>, %arg5: memref<1600xi32, #tpu.memory_space<vmem>>, %arg6: memref<400x128xf32, #tpu.memory_space<vmem>>, %arg7: memref<!tpu.dma_semaphore, #tpu.memory_space<semaphore_mem>>) attributes {dimension_semantics = [#tpu.dimension_semantics<core_parallel>, #tpu.dimension_semantics<subcore_parallel>], iteration_bounds = array<i64: 2, 16>, scalar_prefetch = 0 : i64, scratch_operands = 3 : i64, tpu.core_type = #tpu.core_type<sc_vector_subcore>, window_params = [{transform_indices = #map}, {transform_indices = #map1}, {transform_indices = #map1}]} {
    %mul3A = arith.constant 2 : i32
    %mul3A_0 = arith.muli %arg1, %mul3A : i32
    %add3A = arith.addi %mul3A_0, %arg0 : i32
    %mul3A_1 = arith.constant 1600 : i32
    %mul3A_2 = arith.muli %add3A, %mul3A_1 : i32
    "tpu.region"() ({
      %run_scoped3A = tpu.sem_alloc : memref<!tpu.dma_semaphore, #tpu.memory_space<semaphore_mem>>
      %dma_start3A_49 = tpu.memref_slice %arg2[%mul3A_2] : memref<51200xi32, #tpu.memory_space<hbm>> -> memref<1600xi32, #tpu.memory_space<hbm>>
      %dma_start3A_50 = tpu.memref_slice %arg2[%mul3A_2] : memref<51200xi32, #tpu.memory_space<hbm>> -> memref<1600xi32, #tpu.memory_space<hbm>>
      tpu.enqueue_dma source(%dma_start3A_50 : memref<1600xi32, #tpu.memory_space<hbm>>) target(%arg5 : memref<1600xi32, #tpu.memory_space<vmem>>) target_semaphore(%run_scoped3A : memref<!tpu.dma_semaphore, #tpu.memory_space<semaphore_mem>>)
      %dma_wait3A_51 = tpu.memref_slice %arg2[%mul3A_2] : memref<51200xi32, #tpu.memory_space<hbm>> -> memref<1600xi32, #tpu.memory_space<hbm>>
      %dma_wait3A_52 = tpu.memref_slice %arg2[%mul3A_2] : memref<51200xi32, #tpu.memory_space<hbm>> -> memref<1600xi32, #tpu.memory_space<hbm>>
      tpu.wait_dma2 semaphore(%run_scoped3A : memref<!tpu.dma_semaphore, #tpu.memory_space<semaphore_mem>>) src(%dma_wait3A_52 : memref<1600xi32, #tpu.memory_space<hbm>>) dst(%arg5 : memref<1600xi32, #tpu.memory_space<vmem>>)
      tpu.yield
    }) : () -> ()
    %dma_start3A = arith.constant 0 : i32
    %dma_start3A_3 = tpu.memref_slice %arg5[%dma_start3A] : memref<1600xi32, #tpu.memory_space<vmem>> -> memref<400xi32, #tpu.memory_space<vmem>>
    %dma_start3A_4 = arith.constant 0 : i32
    %dma_start3A_5 = arith.constant 0 : i32
    %dma_start3A_6 = tpu.memref_slice %arg3[%dma_start3A_4, %dma_start3A_5] : memref<100000x128xf32, #tpu.memory_space<hbm>> -> memref<100000x128xf32, #tpu.memory_space<hbm>>
    tpu.enqueue_indirect_dma source(%dma_start3A_6 : memref<100000x128xf32, #tpu.memory_space<hbm>>) target(%arg6 : memref<400x128xf32, #tpu.memory_space<vmem>>) offsets(%dma_start3A_3 : memref<400xi32, #tpu.memory_space<vmem>>) semaphore(%arg7 : memref<!tpu.dma_semaphore, #tpu.memory_space<semaphore_mem>>)
    %dma_wait3A = arith.constant 0 : i32
    %dma_wait3A_7 = tpu.memref_slice %arg5[%dma_wait3A] : memref<1600xi32, #tpu.memory_space<vmem>> -> memref<400xi32, #tpu.memory_space<vmem>>
    %dma_wait3A_8 = arith.constant 0 : i32
    %dma_wait3A_9 = arith.constant 0 : i32
    %dma_wait3A_10 = tpu.memref_slice %arg3[%dma_wait3A_8, %dma_wait3A_9] : memref<100000x128xf32, #tpu.memory_space<hbm>> -> memref<100000x128xf32, #tpu.memory_space<hbm>>
    tpu.wait_indirect_dma semaphore(%arg7 : memref<!tpu.dma_semaphore, #tpu.memory_space<semaphore_mem>>) src(%dma_wait3A_10 : memref<100000x128xf32, #tpu.memory_space<hbm>>) dst(%arg6 : memref<400x128xf32, #tpu.memory_space<vmem>>)
    %add3A_11 = arith.constant 0 : i32
    %add3A_12 = arith.addi %mul3A_2, %add3A_11 : i32
    "tpu.region"() ({
      %run_scoped3A = tpu.sem_alloc : memref<!tpu.dma_semaphore, #tpu.memory_space<semaphore_mem>>
      %dma_start3A_49 = arith.constant 0 : i32
      %dma_start3A_50 = tpu.memref_slice %arg4[%add3A_12, %dma_start3A_49] : memref<51200x128xf32, #tpu.memory_space<hbm>> -> memref<400x128xf32, #tpu.memory_space<hbm>>
      %dma_start3A_51 = arith.constant 0 : i32
      %dma_start3A_52 = tpu.memref_slice %arg4[%add3A_12, %dma_start3A_51] : memref<51200x128xf32, #tpu.memory_space<hbm>> -> memref<400x128xf32, #tpu.memory_space<hbm>>
      tpu.enqueue_dma source(%arg6 : memref<400x128xf32, #tpu.memory_space<vmem>>) target(%dma_start3A_52 : memref<400x128xf32, #tpu.memory_space<hbm>>) target_semaphore(%run_scoped3A : memref<!tpu.dma_semaphore, #tpu.memory_space<semaphore_mem>>)
      %dma_wait3A_53 = arith.constant 0 : i32
      %dma_wait3A_54 = tpu.memref_slice %arg4[%add3A_12, %dma_wait3A_53] : memref<51200x128xf32, #tpu.memory_space<hbm>> -> memref<400x128xf32, #tpu.memory_space<hbm>>
      %dma_wait3A_55 = arith.constant 0 : i32
      %dma_wait3A_56 = tpu.memref_slice %arg4[%add3A_12, %dma_wait3A_55] : memref<51200x128xf32, #tpu.memory_space<hbm>> -> memref<400x128xf32, #tpu.memory_space<hbm>>
      tpu.wait_dma2 semaphore(%run_scoped3A : memref<!tpu.dma_semaphore, #tpu.memory_space<semaphore_mem>>) src(%arg6 : memref<400x128xf32, #tpu.memory_space<vmem>>) dst(%dma_wait3A_56 : memref<400x128xf32, #tpu.memory_space<hbm>>)
      tpu.yield
    }) : () -> ()
    %dma_start3A_13 = arith.constant 400 : i32
    %dma_start3A_14 = tpu.memref_slice %arg5[%dma_start3A_13] : memref<1600xi32, #tpu.memory_space<vmem>> -> memref<400xi32, #tpu.memory_space<vmem>>
    %dma_start3A_15 = arith.constant 0 : i32
    %dma_start3A_16 = arith.constant 0 : i32
    %dma_start3A_17 = tpu.memref_slice %arg3[%dma_start3A_15, %dma_start3A_16] : memref<100000x128xf32, #tpu.memory_space<hbm>> -> memref<100000x128xf32, #tpu.memory_space<hbm>>
    tpu.enqueue_indirect_dma source(%dma_start3A_17 : memref<100000x128xf32, #tpu.memory_space<hbm>>) target(%arg6 : memref<400x128xf32, #tpu.memory_space<vmem>>) offsets(%dma_start3A_14 : memref<400xi32, #tpu.memory_space<vmem>>) semaphore(%arg7 : memref<!tpu.dma_semaphore, #tpu.memory_space<semaphore_mem>>)
    %dma_wait3A_18 = arith.constant 400 : i32
    %dma_wait3A_19 = tpu.memref_slice %arg5[%dma_wait3A_18] : memref<1600xi32, #tpu.memory_space<vmem>> -> memref<400xi32, #tpu.memory_space<vmem>>
    %dma_wait3A_20 = arith.constant 0 : i32
    %dma_wait3A_21 = arith.constant 0 : i32
    %dma_wait3A_22 = tpu.memref_slice %arg3[%dma_wait3A_20, %dma_wait3A_21] : memref<100000x128xf32, #tpu.memory_space<hbm>> -> memref<100000x128xf32, #tpu.memory_space<hbm>>
    tpu.wait_indirect_dma semaphore(%arg7 : memref<!tpu.dma_semaphore, #tpu.memory_space<semaphore_mem>>) src(%dma_wait3A_22 : memref<100000x128xf32, #tpu.memory_space<hbm>>) dst(%arg6 : memref<400x128xf32, #tpu.memory_space<vmem>>)
    %add3A_23 = arith.constant 400 : i32
    %add3A_24 = arith.addi %mul3A_2, %add3A_23 : i32
    "tpu.region"() ({
      %run_scoped3A = tpu.sem_alloc : memref<!tpu.dma_semaphore, #tpu.memory_space<semaphore_mem>>
      %dma_start3A_49 = arith.constant 0 : i32
      %dma_start3A_50 = tpu.memref_slice %arg4[%add3A_24, %dma_start3A_49] : memref<51200x128xf32, #tpu.memory_space<hbm>> -> memref<400x128xf32, #tpu.memory_space<hbm>>
      %dma_start3A_51 = arith.constant 0 : i32
      %dma_start3A_52 = tpu.memref_slice %arg4[%add3A_24, %dma_start3A_51] : memref<51200x128xf32, #tpu.memory_space<hbm>> -> memref<400x128xf32, #tpu.memory_space<hbm>>
      tpu.enqueue_dma source(%arg6 : memref<400x128xf32, #tpu.memory_space<vmem>>) target(%dma_start3A_52 : memref<400x128xf32, #tpu.memory_space<hbm>>) target_semaphore(%run_scoped3A : memref<!tpu.dma_semaphore, #tpu.memory_space<semaphore_mem>>)
      %dma_wait3A_53 = arith.constant 0 : i32
      %dma_wait3A_54 = tpu.memref_slice %arg4[%add3A_24, %dma_wait3A_53] : memref<51200x128xf32, #tpu.memory_space<hbm>> -> memref<400x128xf32, #tpu.memory_space<hbm>>
      %dma_wait3A_55 = arith.constant 0 : i32
      %dma_wait3A_56 = tpu.memref_slice %arg4[%add3A_24, %dma_wait3A_55] : memref<51200x128xf32, #tpu.memory_space<hbm>> -> memref<400x128xf32, #tpu.memory_space<hbm>>
      tpu.wait_dma2 semaphore(%run_scoped3A : memref<!tpu.dma_semaphore, #tpu.memory_space<semaphore_mem>>) src(%arg6 : memref<400x128xf32, #tpu.memory_space<vmem>>) dst(%dma_wait3A_56 : memref<400x128xf32, #tpu.memory_space<hbm>>)
      tpu.yield
    }) : () -> ()
    %dma_start3A_25 = arith.constant 800 : i32
    %dma_start3A_26 = tpu.memref_slice %arg5[%dma_start3A_25] : memref<1600xi32, #tpu.memory_space<vmem>> -> memref<400xi32, #tpu.memory_space<vmem>>
    %dma_start3A_27 = arith.constant 0 : i32
    %dma_start3A_28 = arith.constant 0 : i32
    %dma_start3A_29 = tpu.memref_slice %arg3[%dma_start3A_27, %dma_start3A_28] : memref<100000x128xf32, #tpu.memory_space<hbm>> -> memref<100000x128xf32, #tpu.memory_space<hbm>>
    tpu.enqueue_indirect_dma source(%dma_start3A_29 : memref<100000x128xf32, #tpu.memory_space<hbm>>) target(%arg6 : memref<400x128xf32, #tpu.memory_space<vmem>>) offsets(%dma_start3A_26 : memref<400xi32, #tpu.memory_space<vmem>>) semaphore(%arg7 : memref<!tpu.dma_semaphore, #tpu.memory_space<semaphore_mem>>)
    %dma_wait3A_30 = arith.constant 800 : i32
    %dma_wait3A_31 = tpu.memref_slice %arg5[%dma_wait3A_30] : memref<1600xi32, #tpu.memory_space<vmem>> -> memref<400xi32, #tpu.memory_space<vmem>>
    %dma_wait3A_32 = arith.constant 0 : i32
    %dma_wait3A_33 = arith.constant 0 : i32
    %dma_wait3A_34 = tpu.memref_slice %arg3[%dma_wait3A_32, %dma_wait3A_33] : memref<100000x128xf32, #tpu.memory_space<hbm>> -> memref<100000x128xf32, #tpu.memory_space<hbm>>
    tpu.wait_indirect_dma semaphore(%arg7 : memref<!tpu.dma_semaphore, #tpu.memory_space<semaphore_mem>>) src(%dma_wait3A_34 : memref<100000x128xf32, #tpu.memory_space<hbm>>) dst(%arg6 : memref<400x128xf32, #tpu.memory_space<vmem>>)
    %add3A_35 = arith.constant 800 : i32
    %add3A_36 = arith.addi %mul3A_2, %add3A_35 : i32
    "tpu.region"() ({
      %run_scoped3A = tpu.sem_alloc : memref<!tpu.dma_semaphore, #tpu.memory_space<semaphore_mem>>
      %dma_start3A_49 = arith.constant 0 : i32
      %dma_start3A_50 = tpu.memref_slice %arg4[%add3A_36, %dma_start3A_49] : memref<51200x128xf32, #tpu.memory_space<hbm>> -> memref<400x128xf32, #tpu.memory_space<hbm>>
      %dma_start3A_51 = arith.constant 0 : i32
      %dma_start3A_52 = tpu.memref_slice %arg4[%add3A_36, %dma_start3A_51] : memref<51200x128xf32, #tpu.memory_space<hbm>> -> memref<400x128xf32, #tpu.memory_space<hbm>>
      tpu.enqueue_dma source(%arg6 : memref<400x128xf32, #tpu.memory_space<vmem>>) target(%dma_start3A_52 : memref<400x128xf32, #tpu.memory_space<hbm>>) target_semaphore(%run_scoped3A : memref<!tpu.dma_semaphore, #tpu.memory_space<semaphore_mem>>)
      %dma_wait3A_53 = arith.constant 0 : i32
      %dma_wait3A_54 = tpu.memref_slice %arg4[%add3A_36, %dma_wait3A_53] : memref<51200x128xf32, #tpu.memory_space<hbm>> -> memref<400x128xf32, #tpu.memory_space<hbm>>
      %dma_wait3A_55 = arith.constant 0 : i32
      %dma_wait3A_56 = tpu.memref_slice %arg4[%add3A_36, %dma_wait3A_55] : memref<51200x128xf32, #tpu.memory_space<hbm>> -> memref<400x128xf32, #tpu.memory_space<hbm>>
      tpu.wait_dma2 semaphore(%run_scoped3A : memref<!tpu.dma_semaphore, #tpu.memory_space<semaphore_mem>>) src(%arg6 : memref<400x128xf32, #tpu.memory_space<vmem>>) dst(%dma_wait3A_56 : memref<400x128xf32, #tpu.memory_space<hbm>>)
      tpu.yield
    }) : () -> ()
    %dma_start3A_37 = arith.constant 1200 : i32
    %dma_start3A_38 = tpu.memref_slice %arg5[%dma_start3A_37] : memref<1600xi32, #tpu.memory_space<vmem>> -> memref<400xi32, #tpu.memory_space<vmem>>
    %dma_start3A_39 = arith.constant 0 : i32
    %dma_start3A_40 = arith.constant 0 : i32
    %dma_start3A_41 = tpu.memref_slice %arg3[%dma_start3A_39, %dma_start3A_40] : memref<100000x128xf32, #tpu.memory_space<hbm>> -> memref<100000x128xf32, #tpu.memory_space<hbm>>
    tpu.enqueue_indirect_dma source(%dma_start3A_41 : memref<100000x128xf32, #tpu.memory_space<hbm>>) target(%arg6 : memref<400x128xf32, #tpu.memory_space<vmem>>) offsets(%dma_start3A_38 : memref<400xi32, #tpu.memory_space<vmem>>) semaphore(%arg7 : memref<!tpu.dma_semaphore, #tpu.memory_space<semaphore_mem>>)
    %dma_wait3A_42 = arith.constant 1200 : i32
    %dma_wait3A_43 = tpu.memref_slice %arg5[%dma_wait3A_42] : memref<1600xi32, #tpu.memory_space<vmem>> -> memref<400xi32, #tpu.memory_space<vmem>>
    %dma_wait3A_44 = arith.constant 0 : i32
    %dma_wait3A_45 = arith.constant 0 : i32
    %dma_wait3A_46 = tpu.memref_slice %arg3[%dma_wait3A_44, %dma_wait3A_45] : memref<100000x128xf32, #tpu.memory_space<hbm>> -> memref<100000x128xf32, #tpu.memory_space<hbm>>
    tpu.wait_indirect_dma semaphore(%arg7 : memref<!tpu.dma_semaphore, #tpu.memory_space<semaphore_mem>>) src(%dma_wait3A_46 : memref<100000x128xf32, #tpu.memory_space<hbm>>) dst(%arg6 : memref<400x128xf32, #tpu.memory_space<vmem>>)
    %add3A_47 = arith.constant 1200 : i32
    %add3A_48 = arith.addi %mul3A_2, %add3A_47 : i32
    "tpu.region"() ({
      %run_scoped3A = tpu.sem_alloc : memref<!tpu.dma_semaphore, #tpu.memory_space<semaphore_mem>>
      %dma_start3A_49 = arith.constant 0 : i32
      %dma_start3A_50 = tpu.memref_slice %arg4[%add3A_48, %dma_start3A_49] : memref<51200x128xf32, #tpu.memory_space<hbm>> -> memref<400x128xf32, #tpu.memory_space<hbm>>
      %dma_start3A_51 = arith.constant 0 : i32
      %dma_start3A_52 = tpu.memref_slice %arg4[%add3A_48, %dma_start3A_51] : memref<51200x128xf32, #tpu.memory_space<hbm>> -> memref<400x128xf32, #tpu.memory_space<hbm>>
      tpu.enqueue_dma source(%arg6 : memref<400x128xf32, #tpu.memory_space<vmem>>) target(%dma_start3A_52 : memref<400x128xf32, #tpu.memory_space<hbm>>) target_semaphore(%run_scoped3A : memref<!tpu.dma_semaphore, #tpu.memory_space<semaphore_mem>>)
      %dma_wait3A_53 = arith.constant 0 : i32
      %dma_wait3A_54 = tpu.memref_slice %arg4[%add3A_48, %dma_wait3A_53] : memref<51200x128xf32, #tpu.memory_space<hbm>> -> memref<400x128xf32, #tpu.memory_space<hbm>>
      %dma_wait3A_55 = arith.constant 0 : i32
      %dma_wait3A_56 = tpu.memref_slice %arg4[%add3A_48, %dma_wait3A_55] : memref<51200x128xf32, #tpu.memory_space<hbm>> -> memref<400x128xf32, #tpu.memory_space<hbm>>
      tpu.wait_dma2 semaphore(%run_scoped3A : memref<!tpu.dma_semaphore, #tpu.memory_space<semaphore_mem>>) src(%arg6 : memref<400x128xf32, #tpu.memory_space<vmem>>) dst(%dma_wait3A_56 : memref<400x128xf32, #tpu.memory_space<hbm>>)
      tpu.yield
    }) : () -> ()
    return
  }
}

module attributes {stable_mosaic.version = 14 : i64} {
  func.func @_tc_pad_body(%arg0: i32, %arg1: memref<4000x100xf32, #tpu.memory_space<vmem>>, %arg2: memref<4000x128xf32, #tpu.memory_space<vmem>>) attributes {dimension_semantics = [#tpu.dimension_semantics<arbitrary>], iteration_bounds = array<i64: 25>, scalar_prefetch = 0 : i64, scratch_operands = 0 : i64, tpu.core_type = #tpu.core_type<tc>, window_params = [{transform_indices = @transform_0, window_bounds = array<i64: 4000, 100>}, {transform_indices = @transform_1, window_bounds = array<i64: 4000, 128>}]} {
    %get3A = arith.constant 0 : index
    %get3A_0 = arith.constant 0 : index
    %get3A_1 = vector.load %arg1[%get3A, %get3A_0] : memref<4000x100xf32, #tpu.memory_space<vmem>>, vector<4000x100xf32>
    %swap3A = arith.constant 0 : index
    %swap3A_2 = arith.constant 0 : index
    %swap3A_3 = vector.load %arg2[%swap3A, %swap3A_2] : memref<4000x128xf32, #tpu.memory_space<vmem>>, vector<4000x100xf32>
    tpu.vector_store %arg2[%swap3A, %swap3A_2], %get3A_1 {strides = array<i32>} : memref<4000x128xf32, #tpu.memory_space<vmem>>, vector<4000x100xf32>,
    %broadcast_in_dim3A = arith.constant 0.000000e+00 : f32
    %broadcast_in_dim3A_4 = vector.broadcast %broadcast_in_dim3A : f32 to vector<4000x28xf32>
    %swap3A_5 = arith.constant 0 : index
    %swap3A_6 = arith.constant 100 : index
    %swap3A_7 = vector.load %arg2[%swap3A_5, %swap3A_6] : memref<4000x128xf32, #tpu.memory_space<vmem>>, vector<4000x28xf32>
    tpu.vector_store %arg2[%swap3A_5, %swap3A_6], %broadcast_in_dim3A_4 {strides = array<i32>} : memref<4000x128xf32, #tpu.memory_space<vmem>>, vector<4000x28xf32>,
    return
  }
  func.func @transform_0(%arg0: i32) -> (i32, i32) {
    %c0_i32 = arith.constant 0 : i32
    %c0_i32_0 = arith.constant 0 : i32
    return %arg0, %c0_i32 : i32, i32
  }
  func.func @transform_1(%arg0: i32) -> (i32, i32) {
    %c0_i32 = arith.constant 0 : i32
    %c0_i32_0 = arith.constant 0 : i32
    return %arg0, %c0_i32 : i32, i32
  }
}

module attributes {stable_mosaic.version = 14 : i64} {
  func.func @_tc_gru_body(%arg0: i32, %arg1: memref<1x1024x128xf32, #tpu.memory_space<vmem>>, %arg2: memref<256x512xf32, #tpu.memory_space<vmem>>, %arg3: memref<1x512xf32, #tpu.memory_space<vmem>>, %arg4: memref<128x3xf32, #tpu.memory_space<vmem>>, %arg5: memref<1x3xf32, #tpu.memory_space<vmem>>, %arg6: memref<1024x3xf32, #tpu.memory_space<vmem>>, %arg7: memref<1024x256xf32, #tpu.memory_space<vmem>>) attributes {dimension_semantics = [#tpu.dimension_semantics<arbitrary>], iteration_bounds = array<i64: 50>, scalar_prefetch = 0 : i64, scratch_operands = 1 : i64, tpu.core_type = #tpu.core_type<tc>, window_params = [{transform_indices = @transform_0, window_bounds = array<i64: 1, 1024, 128>}, {pipeline_mode = #tpu.pipeline_mode<synchronous>, transform_indices = @transform_1, window_bounds = array<i64: 256, 512>}, {pipeline_mode = #tpu.pipeline_mode<synchronous>, transform_indices = @transform_2, window_bounds = array<i64: 1, 512>}, {pipeline_mode = #tpu.pipeline_mode<synchronous>, transform_indices = @transform_3, window_bounds = array<i64: 128, 3>}, {pipeline_mode = #tpu.pipeline_mode<synchronous>, transform_indices = @transform_4, window_bounds = array<i64: 1, 3>}, {pipeline_mode = #tpu.pipeline_mode<synchronous>, transform_indices = @transform_5, window_bounds = array<i64: 1024, 3>}]} {
    %eq3A = arith.constant 0 : i32
    %eq3A_0 = arith.cmpi eq, %arg0, %eq3A : i32
    %convert_element_type3A = arith.extui %eq3A_0 : i1 to i32
    %cond3A = arith.constant 0 : i32
    %cond3A_1 = arith.cmpi ne, %convert_element_type3A, %cond3A : i32
    scf.if %cond3A_1 {
      %broadcast_in_dim3A = arith.constant 0.000000e+00 : f32
      %broadcast_in_dim3A_42 = vector.broadcast %broadcast_in_dim3A : f32 to vector<1024x128xf32>
      %swap3A_43 = arith.constant 0 : index
      %swap3A_44 = arith.constant 128 : index
      %swap3A_45 = vector.load %arg7[%swap3A_43, %swap3A_44] : memref<1024x256xf32, #tpu.memory_space<vmem>>, vector<1024x128xf32>
      tpu.vector_store %arg7[%swap3A_43, %swap3A_44], %broadcast_in_dim3A_42 {strides = array<i32>} : memref<1024x256xf32, #tpu.memory_space<vmem>>, vector<1024x128xf32>,
    } else {
    }
    %get3A = arith.constant 0 : index
    %get3A_2 = arith.constant 0 : index
    %get3A_3 = arith.constant 0 : index
    %get3A_4 = vector.load %arg1[%get3A, %get3A_2, %get3A_3] : memref<1x1024x128xf32, #tpu.memory_space<vmem>>, vector<1x1024x128xf32>
    %get3A_5 = vector.shape_cast %get3A_4 : vector<1x1024x128xf32> to vector<1024x128xf32>
    %swap3A = arith.constant 0 : index
    %swap3A_6 = arith.constant 0 : index
    %swap3A_7 = vector.load %arg7[%swap3A, %swap3A_6] : memref<1024x256xf32, #tpu.memory_space<vmem>>, vector<1024x128xf32>
    tpu.vector_store %arg7[%swap3A, %swap3A_6], %get3A_5 {strides = array<i32>} : memref<1024x256xf32, #tpu.memory_space<vmem>>, vector<1024x128xf32>,
    %get3A_8 = arith.constant 0 : index
    %get3A_9 = arith.constant 0 : index
    %get3A_10 = vector.load %arg7[%get3A_8, %get3A_9] : memref<1024x256xf32, #tpu.memory_space<vmem>>, vector<1024x256xf32>
    %get3A_11 = arith.constant 0 : index
    %get3A_12 = arith.constant 0 : index
    %get3A_13 = vector.load %arg2[%get3A_11, %get3A_12] : memref<256x512xf32, #tpu.memory_space<vmem>>, vector<256x512xf32>
    %dot_general3A = arith.constant dense<0.000000e+00> : vector<1024x512xf32>
    %dot_general3A_14 = tpu.matmul %get3A_10, %get3A_13, %dot_general3A {dimension_numbers = #tpu.dot_dimension_numbers<[1], [0], [0], [1], [0, 0, 1, 1], [], []>, transpose_lhs_hint = false} : vector<1024x256xf32>, vector<256x512xf32>, vector<1024x512xf32> -> vector<1024x512xf32>
    %get3A_15 = arith.constant 0 : index
    %get3A_16 = arith.constant 0 : index
    %get3A_17 = vector.load %arg3[%get3A_15, %get3A_16] : memref<1x512xf32, #tpu.memory_space<vmem>>, vector<1x512xf32>
    %add3A = vector.broadcast %get3A_17 : vector<1x512xf32> to vector<1024x512xf32>
    %add3A_18 = arith.addf %dot_general3A_14, %add3A : vector<1024x512xf32>
    %slice3A = vector.extract_strided_slice %add3A_18 {offsets = [0, 0], sizes = [1024, 256], strides = [1, 1]} : vector<1024x512xf32> to vector<1024x256xf32>
    %logistic3A = arith.negf %slice3A : vector<1024x256xf32>
    %logistic3A_19 = math.exp %logistic3A : vector<1024x256xf32>
    %logistic3A_20 = arith.constant 1.000000e+00 : f32
    %logistic3A_21 = vector.broadcast %logistic3A_20 : f32 to vector<1024x256xf32>
    %logistic3A_22 = arith.addf %logistic3A_21, %logistic3A_19 : vector<1024x256xf32>
    %logistic3A_23 = arith.divf %logistic3A_21, %logistic3A_22 : vector<1024x256xf32>
    %slice3A_24 = vector.extract_strided_slice %logistic3A_23 {offsets = [0, 0], sizes = [1024, 128], strides = [1, 1]} : vector<1024x256xf32> to vector<1024x128xf32>
    %slice3A_25 = vector.extract_strided_slice %logistic3A_23 {offsets = [0, 128], sizes = [1024, 128], strides = [1, 1]} : vector<1024x256xf32> to vector<1024x128xf32>
    %slice3A_26 = vector.extract_strided_slice %add3A_18 {offsets = [0, 256], sizes = [1024, 128], strides = [1, 1]} : vector<1024x512xf32> to vector<1024x128xf32>
    %slice3A_27 = vector.extract_strided_slice %add3A_18 {offsets = [0, 384], sizes = [1024, 128], strides = [1, 1]} : vector<1024x512xf32> to vector<1024x128xf32>
    %mul3A = arith.mulf %slice3A_24, %slice3A_27 : vector<1024x128xf32>
    %add3A_28 = arith.addf %slice3A_26, %mul3A : vector<1024x128xf32>
    %tanh3A = math.tanh %add3A_28 : vector<1024x128xf32>
    %get3A_29 = arith.constant 0 : index
    %get3A_30 = arith.constant 128 : index
    %get3A_31 = vector.load %arg7[%get3A_29, %get3A_30] : memref<1024x256xf32, #tpu.memory_space<vmem>>, vector<1024x128xf32>
    %sub3A = arith.subf %get3A_31, %tanh3A : vector<1024x128xf32>
    %mul3A_32 = arith.mulf %slice3A_25, %sub3A : vector<1024x128xf32>
    %add3A_33 = arith.addf %tanh3A, %mul3A_32 : vector<1024x128xf32>
    %swap3A_34 = arith.constant 0 : index
    %swap3A_35 = arith.constant 128 : index
    %swap3A_36 = vector.load %arg7[%swap3A_34, %swap3A_35] : memref<1024x256xf32, #tpu.memory_space<vmem>>, vector<1024x128xf32>
    tpu.vector_store %arg7[%swap3A_34, %swap3A_35], %add3A_33 {strides = array<i32>} : memref<1024x256xf32, #tpu.memory_space<vmem>>, vector<1024x128xf32>,
    %eq3A_37 = arith.constant 49 : i32
    %eq3A_38 = arith.cmpi eq, %arg0, %eq3A_37 : i32
    %convert_element_type3A_39 = arith.extui %eq3A_38 : i1 to i32
    %cond3A_40 = arith.constant 0 : i32
    %cond3A_41 = arith.cmpi ne, %convert_element_type3A_39, %cond3A_40 : i32
    scf.if %cond3A_41 {
      %get3A_42 = arith.constant 0 : index
      %get3A_43 = arith.constant 0 : index
      %get3A_44 = vector.load %arg4[%get3A_42, %get3A_43] : memref<128x3xf32, #tpu.memory_space<vmem>>, vector<128x3xf32>
      %dot_general3A_45 = arith.constant dense<0.000000e+00> : vector<1024x3xf32>
      %dot_general3A_46 = tpu.matmul %add3A_33, %get3A_44, %dot_general3A_45 {dimension_numbers = #tpu.dot_dimension_numbers<[1], [0], [0], [1], [0, 0, 1, 1], [], []>, transpose_lhs_hint = false} : vector<1024x128xf32>, vector<128x3xf32>, vector<1024x3xf32> -> vector<1024x3xf32>
      %get3A_47 = arith.constant 0 : index
      %get3A_48 = arith.constant 0 : index
      %get3A_49 = vector.load %arg5[%get3A_47, %get3A_48] : memref<1x3xf32, #tpu.memory_space<vmem>>, vector<1x3xf32>
      %add3A_50 = vector.broadcast %get3A_49 : vector<1x3xf32> to vector<1024x3xf32>
      %add3A_51 = arith.addf %dot_general3A_46, %add3A_50 : vector<1024x3xf32>
      %swap3A_52 = arith.constant 0 : index
      %swap3A_53 = arith.constant 0 : index
      %swap3A_54 = vector.load %arg6[%swap3A_52, %swap3A_53] : memref<1024x3xf32, #tpu.memory_space<vmem>>, vector<1024x3xf32>
      tpu.vector_store %arg6[%swap3A_52, %swap3A_53], %add3A_51 {strides = array<i32>} : memref<1024x3xf32, #tpu.memory_space<vmem>>, vector<1024x3xf32>,
    } else {
    }
    return
  }
  func.func @transform_0(%arg0: i32) -> (i32, i32, i32) {
    %c0_i32 = arith.constant 0 : i32
    %c0_i32_0 = arith.constant 0 : i32
    %c0_i32_1 = arith.constant 0 : i32
    return %arg0, %c0_i32, %c0_i32_0 : i32, i32, i32
  }
  func.func @transform_1(%arg0: i32) -> (i32, i32) {
    %c0_i32 = arith.constant 0 : i32
    %c0_i32_0 = arith.constant 0 : i32
    %c0_i32_1 = arith.constant 0 : i32
    return %c0_i32, %c0_i32_0 : i32, i32
  }
  func.func @transform_2(%arg0: i32) -> (i32, i32) {
    %c0_i32 = arith.constant 0 : i32
    %c0_i32_0 = arith.constant 0 : i32
    %c0_i32_1 = arith.constant 0 : i32
    return %c0_i32, %c0_i32_0 : i32, i32
  }
  func.func @transform_3(%arg0: i32) -> (i32, i32) {
    %c0_i32 = arith.constant 0 : i32
    %c0_i32_0 = arith.constant 0 : i32
    %c0_i32_1 = arith.constant 0 : i32
    return %c0_i32, %c0_i32_0 : i32, i32
  }
  func.func @transform_4(%arg0: i32) -> (i32, i32) {
    %c0_i32 = arith.constant 0 : i32
    %c0_i32_0 = arith.constant 0 : i32
    %c0_i32_1 = arith.constant 0 : i32
    return %c0_i32, %c0_i32_0 : i32, i32
  }
  func.func @transform_5(%arg0: i32) -> (i32, i32) {
    %c0_i32 = arith.constant 0 : i32
    %c0_i32_0 = arith.constant 0 : i32
    %c0_i32_1 = arith.constant 0 : i32
    return %c0_i32, %c0_i32_0 : i32, i32
  }
}

</mosaic_0001>

<sc_bundles>
// kernel: kernel.5.cloned.1.call-start
scs
__scs_entry_jumppad:
0x0: {  	(pc) =	sbr.rel $0x88, $3  }
0x1: {  	(tag) =	ssettag $0x0;
	lr =	simm.s32 $0x1  }
0x2: {  	[smem:$0x3F99] =	sst lr;
	_ =	strace $0xD0000000  }
0x3: {  	_ = 	snop  }
0x4: {  	_ = 	snop  }
0x5: {  	_ = 	snop  }
0x6: {  	_ = 	snop  }
0x7: {  	_ = 	snop  }
__scs_overlays_trampoline_lowered:
0x8: {  	[smem:$0x3FA8] =	sst s0  }
0x9: {  	[smem:$0x3FA9] =	sst s1  }
0xa: {  	[smem:$0x3FAA] =	sst s2  }
0xb: {  	[smem:$0x3FAB] =	sst s3  }
0xc: {  	[smem:$0x3FAC] =	sst s4  }
0xd: {  	[smem:$0x3FAD] =	sst s5  }
0xe: {  	[smem:$0x3FAE] =	sst s6  }
0xf: {  	[smem:$0x3FAF] =	sst s7  }
0x10: {  	[smem:$0x3FB0] =	sst s8  }
0x11: {  	[smem:$0x3FB1] =	sst s9;
	s0 =	simm.s32 @!p0 $0x0  }
0x12: {  	s1 =	sld [smem:$0x3F97];
	s0 =	simm.s32 @p0 $0x1  }
0x13: {  	[smem:$0x3FB2] =	sst s0;
	s0 =	simm.s32 @!p1 $0x0  }
0x14: {  	s2 =	sld [smem:$0x3F96];
	s0 =	simm.s32 @p1 $0x1  }
0x15: {  	[smem:$0x3FB3] =	sst s0;
	s0 =	simm.s32 @!p2 $0x0  }
0x16: {  	s3 =	sld [smem:$0x3FDB];
	s0 =	simm.s32 @p2 $0x1  }
0x17: {  	s4 =	simm.s32 $0x1BF5;
	[smem:$0x3FB5] =	sst s0  }
0x18: {  	s0 =	sld [smem:$0x3F98];
	_ =	swait.ge [sflag:s4], $0x0  }
0x19: {  	s7 =	sld [smem:$0x3F99]  }
0x1a: {  	s8 =	sadd.s32 $0xFFFFE003, lr  }
0x1b: {  	s9 =	sadd.s32 $0xFFFFFEF7, lr;
	s5 =	simm.s32 $0xFFFFFFFF;
	p2 =	slt.u32 s8, $0xFFFFF086  }
0x1c: {  	p1 =	slt.u32 s9, $0xF7A;
	s5 =	simm.s32 @!p2 $0x0  }
0x1d: {  	s5 =	simm.s32 @p1 $0x1;
	p0 =	seq.s32 s7, s2  }
0x1e: {  	s7 =	smul.u32 @!p0 $0xF7A, s2;
	p2 =	seq.s32 @!p0 s5, $0x0  }
0x1f: {  	s9 =	smul.u32 $0xF7A, s1;
	s8 =	simm.s32 @!p0 $0x1BF5;
	p2 =	por !p2, p0  }
0x20: {  	[sflag:s8] =	ssyncset.s32 @!p0 $0xFFFFF086;
	s6 =	sadd.s32 @!p0 s3, s7;
	s7 =	simm.s32 @!p0 $0x108  }
0x21: {  	s3 =	sadd.s32 s3, s9;
	s6 =	sadd.s32 @!p0 $0x88, s6;
	s7 =	simm.s32 @p2 $0x1082  }
0x22: {  	[simem:s7], [sflag:s8] =	dma.local @!p0 [hbm:s6], $0xF7A  }
0x23: {  	s9 =	sor.u32 $0xD0000000, s2;
	s6 =	simm.s32 $0x108;
	_ =	swait.ge @!p0 [sflag:s8], $0x0  }
0x24: {  	s3 =	sadd.s32 $0x88, s3;
	s6 =	simm.s32 @!p1 $0x1082;
	[sflag:s4] =	ssyncset.s32 $0xFFFFF086  }
0x25: {  	[simem:s6], [sflag:s4] =	dma.local [hbm:s3], $0xF7A  }
0x26: {  	[smem:$0x3F99] =	sst s1;
	(tag) =	ssettag s2;
	_ =	strace s9  }
0x27: {  	s1 =	sld [smem:$0x3FA9]  }
0x28: {  	s2 =	sld [smem:$0x3FAA]  }
0x29: {  	s4 =	sld [smem:$0x3FAC]  }
0x2a: {  	p0 =	seq.s32 s5, $0x0;
	s5 =	sld [smem:$0x3FAD]  }
0x2b: {  	s6 =	sld [smem:$0x3FAE]  }
0x2c: {  	s7 =	sld [smem:$0x3FAF]  }
0x2d: {  	s3 =	simm.s32 $0x108;
	s8 =	sld [smem:$0x3FB0]  }
0x2e: {  	s3 =	simm.s32 @!p0 $0x1082;
	s9 =	sld [smem:$0x3FB1]  }
0x2f: {  	lr =	sadd.s32 s0, s3;
	s0 =	sld [smem:$0x3FA8]  }
0x30: {  	s3 =	sld [smem:$0x3FAB]  }
0x31: {  	[smem:$0x3FB4] =	sst s10  }
0x32: {  	s10 =	sld [smem:$0x3FB2];
	_ =	sdelay $0x3  }
0x33: {  	p0 =	seq.s32 s10, $0x1;
	s10 =	sld [smem:$0x3FB4];
	_ =	sdelay $0x3  }
0x34: {  	[smem:$0x3FB4] =	sst s10  }
0x35: {  	s10 =	sld [smem:$0x3FB3];
	_ =	sdelay $0x3  }
0x36: {  	p1 =	seq.s32 s10, $0x1;
	s10 =	sld [smem:$0x3FB4];
	_ =	sdelay $0x3  }
0x37: {  	[smem:$0x3FB4] =	sst s10  }
0x38: {  	s10 =	sld [smem:$0x3FB5]  }
0x39: {  	_ = 	snop;
	(pc) =	sbr.ind lr, $3  }
0x3a: {  	_ = 	snop  }
0x3b: {  	_ = 	snop  }
0x3c: {  	p2 =	seq.s32 s10, $0x1;
	s10 =	sld [smem:$0x3FB4]  }
0x3d: {  	_ =	shalt  }
0x3e: {  	_ =	shalt  }
0x3f: {  	_ =	shalt  }
0x40: {  	_ =	shalt  }
0x41: {  	_ =	shalt  }
0x42: {  	_ =	shalt  }
0x43: {  	_ =	shalt  }
0x44: {  	_ =	shalt  }
0x45: {  	_ =	shalt  }
0x46: {  	_ =	shalt  }
0x47: {  	_ =	shalt  }
0x48: {  	_ =	shalt  }
0x49: {  	_ =	shalt  }
0x4a: {  	_ =	shalt  }
0x4b: {  	_ =	shalt  }
0x4c: {  	_ =	shalt  }
0x4d: {  	_ =	shalt  }
0x4e: {  	_ =	shalt  }
0x4f: {  	_ =	shalt  }
0x50: {  	_ =	shalt  }
0x51: {  	_ =	shalt  }
0x52: {  	_ =	shalt  }
0x53: {  	_ =	shalt  }
0x54: {  	_ =	shalt  }
0x55: {  	_ =	shalt  }
0x56: {  	_ =	shalt  }
0x57: {  	_ =	shalt  }
0x58: {  	_ =	shalt  }
0x59: {  	_ =	shalt  }
0x5a: {  	_ =	shalt  }
0x5b: {  	_ =	shalt  }
0x5c: {  	_ =	shalt  }
0x5d: {  	_ =	shalt  }
0x5e: {  	_ =	shalt  }
0x5f: {  	_ =	shalt  }
0x60: {  	_ =	shalt  }
0x61: {  	_ =	shalt  }
0x62: {  	_ =	shalt  }
0x63: {  	_ =	shalt  }
0x64: {  	_ =	shalt  }
0x65: {  	_ =	shalt  }
0x66: {  	_ =	shalt  }
0x67: {  	_ =	shalt  }
0x68: {  	_ =	shalt  }
0x69: {  	_ =	shalt  }
0x6a: {  	_ =	shalt  }
0x6b: {  	_ =	shalt  }
0x6c: {  	_ =	shalt  }
0x6d: {  	_ =	shalt  }
0x6e: {  	_ =	shalt  }
0x6f: {  	_ =	shalt  }
0x70: {  	_ =	shalt  }
0x71: {  	_ =	shalt  }
0x72: {  	_ =	shalt  }
0x73: {  	_ =	shalt  }
0x74: {  	_ =	shalt  }
0x75: {  	_ =	shalt  }
0x76: {  	_ =	shalt  }
0x77: {  	_ =	shalt  }
0x78: {  	_ =	shalt  }
0x79: {  	_ =	shalt  }
0x7a: {  	_ =	shalt  }
0x7b: {  	_ =	shalt  }
0x7c: {  	_ =	shalt  }
0x7d: {  	_ =	shalt  }
0x7e: {  	_ =	shalt  }
0x7f: {  	_ =	shalt  }
0x80: {  	_ =	shalt  }
0x81: {  	_ =	shalt  }
0x82: {  	_ =	shalt  }
0x83: {  	_ =	shalt  }
0x84: {  	_ =	shalt  }
0x85: {  	_ =	shalt  }
0x86: {  	_ =	shalt  }
0x87: {  	_ =	shalt  }
.Lfunc_end0:
.L_simem_size_0:
called_computation_lowered:
.L_overlay_start_0:
0x88: {  	s2 =	sld [smem:$0x3FD9]  }
0x89: {  	s3 =	sld [smem:$0x3FFE];
	_ =	sdelay $0x1  }
0x8a: {  	s1 =	srdreg.scid  }
0x8b: {  	s0 =	sand.u32 $0x1, s1  }
0x8c: {  	s16 =	sshll.u32 s0, $0xA;
	s2 =	sadd.s32 s3, s2  }
0x8d: {  	s2 =	sadd.s32 s2, s16  }
0x8e: {  	[smem:$0x3FC0] =	sst s2  }
0x8f: {  	_ = 	snop  }
0x90: {  	(tm) =	ssettm $0x1  }
0x91: {  	s17 =	sld [smem:$0x3FFB];
	_ =	sdelay $0x3  }
0x92: {  	_ =	strace s17  }
0x93: {  	s2 =	sld [smem:$0x3FFC];
	_ =	sdelay $0x3  }
0x94: {  	_ =	strace s2  }
0x95: {  	s2 =	sld [smem:$0x3FFD];
	_ =	sdelay $0x3  }
0x96: {  	_ =	strace s2  }
0x97: {  	_ =	strace $0x8FFFFFFF  }
0x98: {  	s18 =	sld [smem:$0x3FDB];
	_ =	sdelay $0x1  }
0x99: {  	s19 =	simm.s32 $_scs_section_size  }
0x9a: {  	s4 =	simm.s32 $_size__tile_overlayer_lowered;
	s5 =	simm.s32 $_tile_overlayer_lowered  }
0x9b: {  	s22 =	simm.s32 $0x1BFF;
	s21 =	sshll.u32 s5, $0x1;
	s2 =	sadd.s32 s19, s18  }
0x9c: {  	s6 =	simm.s32 $0x0;
	s20 =	sshll.u32 s4, $0x1;
	s4 =	sadd.s32 s21, s2  }
0x9d: {  	[timem:s6], [sflag:s22] =	dma.local [hbm:s4], s20  }
0x9e: {  	_ =	swait.ge [sflag:s22], s20  }
0x9f: {  	s3 =	ssub.s32 $0x0, s20;
	[sflag:s22] =	ssyncset.done $0x0  }
0xa0: {  	[sflag:s22] =	ssyncadd.s32 s3;
	_ =	sdelay $0x1  }
0xa1: {  	s23 =	simm.s32 $0x1B8B  }
0xa2: {  	_ =	swait.ge [sflag:s23], $0x1  }
0xa3: {  	[sflag:s23] =	ssyncset.done $0x0  }
0xa4: {  	s25 =	simm.s32 $0x1B8E;
	s24 =	sld [smem:$0x3FFE];
	[sflag:s23] =	ssyncadd.s32 $0xFFFFFFFF  }
0xa5: {  	s26 =	simm.s32 $execute0_lowered;
	[smem:$0x3FD2] =	sst s25  }
0xa6: {  	s4 =	sshll.u32 s26, $0x1;
	_ =	strace $0x80000046;
	[dreg:$0x1] =	wrdreg $0xFFFFFFFF  }
0xa7: {  	s28 =	simm.s32 $_size_execute0_lowered;
	s2 =	sadd.s32 s2, s4;
	[dreg:$0x0] =	wrdreg $0x0  }
0xa8: {  	s4 =	sshll.u32 s28, $0x1;
	[dreg:$0x2] =	wrdreg s2  }
0xa9: {  	[dreg:$0x3] =	wrdreg s4  }
0xaa: {  	[dreg:$0x4] =	wrdreg $0xC0  }
0xab: {  	_ =	task [dreg:s6], $0x5FFFF  }
0xac: {  	[dreg:$0x1] =	wrdreg $0xFFFFFFFF  }
0xad: {  	[dreg:$0x0] =	wrdreg $0x60  }
0xae: {  	[dreg:$0x2] =	wrdreg s24  }
0xaf: {  	[dreg:$0x3] =	wrdreg $0x9  }
0xb0: {  	_ =	task.clear_ibuf [dreg:s6], $0x4FFFF;
	_ =	strace $0x90000046  }
0xb1: {  	s29 =	simm.s32 $0x9;
	_ =	strace $0x80000048  }
0xb2: {  	_ =	swait.ge [sflag:s29], $0x1  }
0xb3: {  	[sflag:s29] =	ssyncadd.s32 $0xFFFFFFFF  }
0xb4: {  	_ =	strace $0x90000048  }
0xb5: {  	_ =	sfence  }
0xb6: {  	s30 =	sld [smem:$0x0];
	_ =	sdelay $0x2  }
0xb7: {  	s31 =	sshll.u32 s1, $0xD;
	s1 =	sshrl.u32 s1, $0x2  }
0xb8: {  	s3 =	sand.u32 $0x4000, s31;
	s1 =	sadd.s32 s1, s30  }
0xb9: {  	s0 =	sor.u32 s3, s0;
	s1 =	sshll.u32 s1, $0x11  }
0xba: {  	s0 =	sor.u32 s1, s0  }
0xbb: {  	s0 =	sadd.s32 $0x8F2B, s0  }
0xbc: {  	[sflag:s0] =	ssyncadd.remote.s32 $0x1  }
0xbd: {  	_ =	sfence.sel $0xFFFF  }
0xbe: {  	[dreg:$0x0] =	wrdreg $0xFFFFFFFF;
	(pc) =	sbr.abs _section_cstart, $3  }
0xbf: {  	[dreg:$0x1] =	wrdreg $0xFFFFFFFF  }
0xc0: {  	_ =	task.clear_ibuf [dreg:s6], $0x2FFFF;
	_ =	strace $0x9FFFFFFF  }
0xc1: {  	(tm) =	ssettm $0x7FFFFFFF  }
tec
execute0_lowered:
.L_overlay_start_1:
0x0: {  	(tag) =	ssettag $0x1  }
0x1: {  	s1 =	srdreg.scid;
	s0 =	stileid.u32  }
0x2: {  	s13 =	sand.u32 $0x1, s1;
	s31 =	sshll.u32 s0, $0x1  }
0x3: {  	s10 =	sor.u32 s13, s31  }
0x4: {  	s9 =	rddreg [dreg:$0x0];
	s3 =	smul.u32 $0xC8, s10  }
0x5: {  	s2 =	simm.s32 $0x0;
	s1 =	rddreg [dreg:$0x1]  }
0x6: {  	[smem:$0x7FF] =	sst s2;
	s3 =	sadd.s32 s3, s9  }
0x7: {  	_ =	strace $0x80000047;
	s4 =	sadd.s32 $0x1400, s3;
	s3 =	simm.s32 $0x2  }
0x8: {  	[tilespmem:s2], [sflag:$0x2] =	stream.linear.gather [hbm4b:s4+s2], $0x640, $0x38;
	[tilespmem:$0xCE80] =	vst v63  }
0x9: {  	_ =	swait.ge [sflag:s3], $0x640  }
0xa: {  	s6 =	simm.s32 $0x190;
	s7 =	simm.s32 $0x680;
	[sflag:s3] =	ssyncset.done $0x0  }
0xb: {  	s8 =	simm.s32 $0x1;
	s5 =	sadd.s32 $0x189800, s9;
	[sflag:s3] =	ssyncadd.s32 $0xFFFFF9C0  }
0xc: {  	[tilespmem:s7], [sflag:$0x1] =	stream.indirect.gather [hbm4b:s5+s6], $0x80, s2, s6, $0xb8;
	[tilespmem:$0xCE80] =	vst v63  }
0xd: {  	s11 =	smul.u32 $0x6400, s10;
	_ =	swait.ge [sflag:s8], $0xC800  }
0xe: {  	s12 =	sadd.s32 $0x2E00, s9;
	[sflag:s8] =	ssyncset.done $0x0  }
0xf: {  	s9 =	sadd.s32 s12, s11;
	[sflag:s8] =	ssyncadd.s32 $0xFFFF3800  }
0x10: {  	[hbm4b:s9+s2] =	stream.linear.scatter [tilespmem:s7], [sflag:$0x2], $0xC800, $0x38;
	[tilespmem:$0xCE80] =	vst v63  }
0x11: {  	_ =	swait.ge [sflag:s3], $0xC800  }
0x12: {  	[sflag:s3] =	ssyncset.done $0x0  }
0x13: {  	s10 =	smul.u32 $0x32000, s10;
	[sflag:s3] =	ssyncadd.s32 $0xFFFF3800  }
0x14: {  	[tilespmem:s7], [sflag:$0x1] =	stream.indirect.gather [hbm4b:s5+s6], $0x80, s6, s6, $0xb8;
	[tilespmem:$0xCE80] =	vst v63  }
0x15: {  	s10 =	sshrl.u32 s10, $0x3;
	_ =	swait.ge [sflag:s8], $0xC800  }
0x16: {  	s14 =	sadd.s32 s12, s10;
	[sflag:s8] =	ssyncset.done $0x0  }
0x17: {  	s10 =	sadd.s32 $0x1900, s14;
	[sflag:s8] =	ssyncadd.s32 $0xFFFF3800  }
0x18: {  	[hbm4b:s10+s2] =	stream.linear.scatter [tilespmem:s7], [sflag:$0x2], $0xC800, $0x38;
	[tilespmem:$0xCE80] =	vst v63  }
0x19: {  	_ =	swait.ge [sflag:s3], $0xC800  }
0x1a: {  	[sflag:s3] =	ssyncset.done $0x0  }
0x1b: {  	s11 =	simm.s32 $0x320;
	[sflag:s3] =	ssyncadd.s32 $0xFFFF3800  }
0x1c: {  	[tilespmem:s7], [sflag:$0x1] =	stream.indirect.gather [hbm4b:s5+s6], $0x80, s11, s6, $0xb8;
	[tilespmem:$0xCE80] =	vst v63  }
0x1d: {  	_ =	swait.ge [sflag:s8], $0xC800  }
0x1e: {  	[sflag:s8] =	ssyncset.done $0x0  }
0x1f: {  	s15 =	ssub.s32 $0x2, s13;
	s12 =	sadd.s32 $0x3200, s14;
	[sflag:s8] =	ssyncadd.s32 $0xFFFF3800  }
0x20: {  	[hbm4b:s12+s2] =	stream.linear.scatter [tilespmem:s7], [sflag:$0x2], $0xC800, $0x38;
	[tilespmem:$0xCE80] =	vst v63  }
0x21: {  	s16 =	sshrl.u32 s15, $0x1;
	_ =	swait.ge [sflag:s3], $0xC800  }
0x22: {  	s15 =	ssub.s32 s15, s16;
	[sflag:s3] =	ssyncset.done $0x0  }
0x23: {  	s13 =	simm.s32 $0x4B0;
	s15 =	smax.u32 s15, $0x1;
	[sflag:s3] =	ssyncadd.s32 $0xFFFF3800  }
0x24: {  	[tilespmem:s7], [sflag:$0x1] =	stream.indirect.gather [hbm4b:s5+s6], $0x80, s13, s6, $0xb8;
	[tilespmem:$0xCE80] =	vst v63  }
0x25: {  	p0 =	sne.s32 s15, $0x1;
	_ =	swait.ge [sflag:s8], $0xC800  }
.Ltmp0:
0x26: {  	[sflag:s8] =	ssyncset.done $0x0;
	(pc) =	sbr.rel @!p0 .LBB2_2-.Ltmp0, $4  }
0x27: {  	s14 =	sadd.s32 $0x4B00, s14;
	[sflag:s8] =	ssyncadd.s32 $0xFFFF3800  }
0x28: {  	[hbm4b:s14+s2] =	stream.linear.scatter [tilespmem:s7], [sflag:$0x2], $0xC800, $0x38;
	[tilespmem:$0xCE80] =	vst v63  }
0x29: {  	_ =	swait.ge [sflag:s3], $0xC800  }
0x2a: {  	s15 =	sadd.s32 $0xFFFFFFFF, s15;
	[sflag:s3] =	ssyncset.done $0x0  }
.LBB2_1:
0x2b: {  	p0 =	sne.s32 s15, $0x1;
	s15 =	sadd.s32 $0xFFFFFFFF, s15;
	[sflag:s3] =	ssyncadd.s32 $0xFFFF3800  }
0x2c: {  	[tilespmem:s2], [sflag:$0x2] =	stream.linear.gather [hbm4b:s4+s2], $0x640, $0x38;
	[tilespmem:$0xCE80] =	vst v63  }
0x2d: {  	_ =	swait.ge [sflag:s3], $0x640  }
0x2e: {  	[sflag:s3] =	ssyncset.done $0x0  }
0x2f: {  	[sflag:s3] =	ssyncadd.s32 $0xFFFFF9C0  }
0x30: {  	[tilespmem:s7], [sflag:$0x1] =	stream.indirect.gather [hbm4b:s5+s6], $0x80, s2, s6, $0xb8;
	[tilespmem:$0xCE80] =	vst v63  }
0x31: {  	_ =	swait.ge [sflag:s8], $0xC800  }
0x32: {  	[sflag:s8] =	ssyncset.done $0x0  }
0x33: {  	[sflag:s8] =	ssyncadd.s32 $0xFFFF3800  }
0x34: {  	[hbm4b:s9+s2] =	stream.linear.scatter [tilespmem:s7], [sflag:$0x2], $0xC800, $0x38;
	[tilespmem:$0xCE80] =	vst v63  }
0x35: {  	_ =	swait.ge [sflag:s3], $0xC800  }
0x36: {  	[sflag:s3] =	ssyncset.done $0x0  }
0x37: {  	[sflag:s3] =	ssyncadd.s32 $0xFFFF3800  }
0x38: {  	[tilespmem:s7], [sflag:$0x1] =	stream.indirect.gather [hbm4b:s5+s6], $0x80, s6, s6, $0xb8;
	[tilespmem:$0xCE80] =	vst v63  }
0x39: {  	_ =	swait.ge [sflag:s8], $0xC800  }
0x3a: {  	[sflag:s8] =	ssyncset.done $0x0  }
0x3b: {  	[sflag:s8] =	ssyncadd.s32 $0xFFFF3800  }
0x3c: {  	[hbm4b:s10+s2] =	stream.linear.scatter [tilespmem:s7], [sflag:$0x2], $0xC800, $0x38;
	[tilespmem:$0xCE80] =	vst v63  }
0x3d: {  	_ =	swait.ge [sflag:s3], $0xC800  }
0x3e: {  	[sflag:s3] =	ssyncset.done $0x0  }
0x3f: {  	[sflag:s3] =	ssyncadd.s32 $0xFFFF3800  }
0x40: {  	[tilespmem:s7], [sflag:$0x1] =	stream.indirect.gather [hbm4b:s5+s6], $0x80, s11, s6, $0xb8;
	[tilespmem:$0xCE80] =	vst v63  }
0x41: {  	_ =	swait.ge [sflag:s8], $0xC800  }
0x42: {  	[sflag:s8] =	ssyncset.done $0x0  }
0x43: {  	[sflag:s8] =	ssyncadd.s32 $0xFFFF3800  }
0x44: {  	[hbm4b:s12+s2] =	stream.linear.scatter [tilespmem:s7], [sflag:$0x2], $0xC800, $0x38;
	[tilespmem:$0xCE80] =	vst v63  }
0x45: {  	_ =	swait.ge [sflag:s3], $0xC800  }
0x46: {  	[sflag:s3] =	ssyncset.done $0x0  }
0x47: {  	[sflag:s3] =	ssyncadd.s32 $0xFFFF3800  }
0x48: {  	[tilespmem:s7], [sflag:$0x1] =	stream.indirect.gather [hbm4b:s5+s6], $0x80, s13, s6, $0xb8;
	[tilespmem:$0xCE80] =	vst v63  }
0x49: {  	_ =	swait.ge [sflag:s8], $0xC800  }
.Ltmp1:
0x4a: {  	[sflag:s8] =	ssyncset.done $0x0;
	(pc) =	sbr.rel @p0 .LBB2_1-.Ltmp1, $4  }
0x4b: {  	[sflag:s8] =	ssyncadd.s32 $0xFFFF3800  }
0x4c: {  	[hbm4b:s14+s2] =	stream.linear.scatter [tilespmem:s7], [sflag:$0x2], $0xC800, $0x38;
	[tilespmem:$0xCE80] =	vst v63  }
0x4d: {  	_ =	swait.ge [sflag:s3], $0xC800  }
0x4e: {  	[sflag:s3] =	ssyncset.done $0x0  }
.LBB2_2:
0x4f: {  	[sflag:s3] =	ssyncadd.s32 $0xFFFF3800  }
0x50: {  	_ =	sfence.sel $0x180000  }
0x51: {  	[bflag:$0x0] =	sbarrier.arrive $0xFFFF  }
0x52: {  	p0 =	sne.s32 s0, $0x0;
	_ =	strace $0x90000047  }
0x53: {  	s0 =	sadd.s32 @!p0 $0x100000, s1;
	[bflag:$0x2] =	sbarrier.arrive $0xFFFF  }
0x54: {  	[sflag:s0] =	ssyncadd.tile.s32 @!p0 $0x1;
	_ =	shalt  }
.Lfunc_end2:
_tile_overlayer_lowered:
.L_overlay_start_2:
0x55: {  	(tag) =	ssettag $0x2  }
0x56: {  	s0 =	rddreg [dreg:$0x0];
	s2 =	stileid.u32  }
0x57: {  	s1 =	rddreg [dreg:$0x1];
	p0 =	sne.s32 s2, $0x0  }
0x58: {  	s3 =	rddreg [dreg:$0x2];
	[bflag:$0x3] =	sbarrier.arrive $0xFFFF;
	s2 =	simm.s32 @!p0 $0x1C02  }
0x59: {  	[timem:s3], [sflag:s2] =	dma.local @!p0 [hbm:s0], s1  }
0x5a: {  	s0 =	simm.s32 @!p0 $0x2  }
0x5b: {  	_ =	swait.ge @!p0 [sflag:s0], s1  }
0x5c: {  	s1 =	ssub.s32 @!p0 $0x0, s1;
	[sflag:s0] =	ssyncset.done @!p0 $0x0  }
0x5d: {  	[sflag:s0] =	ssyncadd.s32 @!p0 s1  }
0x5e: {  	[bflag:$0x3] =	sbarrier.arrive $0xFFFF  }
0x5f: {  	_ =	shalt  }

</sc_bundles>
